<compile_context>
chip_gen: v7x
topology: tpu7x:2x2x1
jax: 0.10.2.dev20260603
libtpu: 0.0.44.dev20260713+nightly
codegen_flags: <defaults>
</compile_context>

<pallas_src>
import jax
import jax.numpy as jnp
from jax import lax
from jax.experimental import pallas as pl
from jax.experimental.pallas import tpu as pltpu
from jax.experimental.pallas import tpu_sc as plsc

_M = 100000
_D = 256
_B = 4096
_K = 99
_KP = 128
_MOM = 0.99
_MARGIN = 10.0

_NW = 32
_BPW = _B // _NW
_RCH = 32
_TM = 10000
_NT = _M // _TM


def _sc_gather_body(mem_h, labels_h, idx_h, rows_o, bl_o, win_o,
                    idx_all, tag, rows_buf, bl_buf, win_buf, sem):
    c = lax.axis_index("c")
    s = lax.axis_index("s")
    wid = s * 2 + c
    base = wid * _BPW

    @pl.when(wid == 0)
    def _():
        pltpu.sync_copy(idx_h, idx_all)

    @pl.when(wid != 0)
    def _():
        pltpu.sync_copy(idx_h.at[pl.ds(base, _BPW)],
                        idx_all.at[pl.ds(base, _BPW)])

    def chunk(r, carry):
        off = base + r * _RCH
        pltpu.async_copy(mem_h.at[idx_all.at[pl.ds(off, _RCH)]],
                         rows_buf, sem).wait()
        pltpu.sync_copy(rows_buf, rows_o.at[pl.ds(off, _RCH)])
        return carry

    lax.fori_loop(0, _BPW // _RCH, chunk, 0)

    pltpu.async_copy(labels_h.at[idx_all.at[pl.ds(base, _BPW)]],
                     bl_buf, sem).wait()
    pltpu.sync_copy(bl_buf, bl_o.at[pl.ds(base, _BPW)])

    @pl.when(wid == 0)
    def _():
        def scat(j, carry):
            iv = idx_all[pl.ds(j * 16, 16)]
            jv = lax.iota(jnp.int32, 16) + j * 16
            plsc.store_scatter(tag, (iv,), jv)
            return carry

        lax.fori_loop(0, _B // 16, scat, 0)

        def gath(j, carry):
            iv = idx_all[pl.ds(j * 16, 16)]
            jv = lax.iota(jnp.int32, 16) + j * 16
            t = plsc.load_gather(tag, (iv,))
            win_buf[pl.ds(j * 16, 16)] = jnp.where(t == jv, 1.0, 0.0)
            return carry

        lax.fori_loop(0, _B // 16, gath, 0)
        pltpu.sync_copy(win_buf, win_o)


def _sc_gather(mem, bank_labels, idx):
    mesh = plsc.VectorSubcoreMesh(core_axis_name="c", subcore_axis_name="s")
    f = pl.kernel(
        _sc_gather_body,
        out_type=[
            jax.ShapeDtypeStruct((_B, _D), jnp.float32),
            jax.ShapeDtypeStruct((_B,), jnp.int32),
            jax.ShapeDtypeStruct((_B,), jnp.float32),
        ],
        mesh=mesh,
        scratch_types=[
            pltpu.VMEM((_B,), jnp.int32),
            pltpu.VMEM((_M,), jnp.int32),
            pltpu.VMEM((_RCH, _D), jnp.float32),
            pltpu.VMEM((_BPW,), jnp.int32),
            pltpu.VMEM((_B,), jnp.float32),
            pltpu.SemaphoreType.DMA,
        ],
        compiler_params=pltpu.CompilerParams(needs_layout_passes=False),
    )
    return f(mem, bank_labels, idx)


def _tc_sweep_body(lab_ref, mem_ref, sums_ref, counts_ref):
    t = pl.program_id(0)

    @pl.when(t == 0)
    def _():
        sums_ref[...] = jnp.zeros_like(sums_ref)
        counts_ref[...] = jnp.zeros_like(counts_ref)

    lab = lab_ref[0].astype(jnp.bfloat16)
    kio = lax.broadcasted_iota(
        jnp.int32, (_KP, _TM), 0).astype(jnp.bfloat16)
    eq = lab == kio
    oh = jnp.where(eq, jnp.bfloat16(1.0), jnp.bfloat16(0.0))
    sums_ref[...] += jnp.dot(oh, mem_ref[...],
                             preferred_element_type=jnp.float32)
    counts_ref[...] += jnp.sum(oh, axis=1, keepdims=True,
                               dtype=jnp.float32)


def _tc_sweep(labels3, mem):
    return pl.pallas_call(
        _tc_sweep_body,
        grid=(_NT,),
        in_specs=[
            pl.BlockSpec((1, 1, _TM), lambda i: (i, 0, 0)),
            pl.BlockSpec((_TM, _D), lambda i: (i, 0)),
        ],
        out_specs=[
            pl.BlockSpec((_KP, _D), lambda i: (0, 0)),
            pl.BlockSpec((_KP, 1), lambda i: (0, 0)),
        ],
        out_shape=[
            jax.ShapeDtypeStruct((_KP, _D), jnp.float32),
            jax.ShapeDtypeStruct((_KP, 1), jnp.float32),
        ],
    )(labels3, mem)


def _tc_epilogue_body(sums_ref, counts_ref, rows_ref, blg_ref, win_ref,
                      ilr_ref, x_ref, proto_ref, out_ref):
    kiob = lax.broadcasted_iota(jnp.int32, (_KP, _B), 0)
    win = win_ref[...]
    oh_sub = jnp.where(blg_ref[...] == kiob, win, 0.0)
    oh_add = jnp.where(ilr_ref[...] == kiob, win, 0.0)
    x = x_ref[...]
    s2 = (sums_ref[...]
          + jnp.dot(oh_add, x, preferred_element_type=jnp.float32)
          - jnp.dot(oh_sub, rows_ref[...],
                    preferred_element_type=jnp.float32))
    c2 = counts_ref[...] + jnp.sum(oh_add - oh_sub, axis=1, keepdims=True)

    proto_pad = jnp.concatenate(
        [proto_ref[...], jnp.zeros((_KP - _K, _D), jnp.float32)], axis=0)
    proto = _MOM * proto_pad + (1.0 - _MOM) * (s2 / jnp.maximum(c2, 1.0))

    xp = lax.dot_general(proto, x, (((1,), (1,)), ((), ())),
                         preferred_element_type=jnp.float32)
    ones_row = jnp.ones((1, _D), dtype=jnp.float32)
    x_sq = lax.dot_general(ones_row, x * x, (((1,), (1,)), ((), ())),
                           preferred_element_type=jnp.float32)
    p_sq = jnp.sum(proto * proto, axis=1, keepdims=True)
    d2 = p_sq + x_sq - 2.0 * xp
    d = jnp.sqrt(jnp.maximum(d2, 1e-12))
    own = ilr_ref[...] == kiob
    per = jnp.where(own, d, jnp.maximum(0.0, _MARGIN - d))
    per = jnp.where(kiob < _K, per, 0.0)
    out_ref[...] = (jnp.sum(per) / (_B * _K)) * jnp.ones((1, 1), jnp.float32)


def _tc_epilogue(sums, counts, rows, blg_r, win_r, il_r, x, proto):
    return pl.pallas_call(
        _tc_epilogue_body,
        out_shape=jax.ShapeDtypeStruct((1, 1), jnp.float32),
    )(sums, counts, rows, blg_r, win_r, il_r, x, proto)


def kernel(mem, bank_labels, idx, input_vectors, input_labels, prototypes):
    rows, blg, win = _sc_gather(mem, bank_labels, idx)
    labels3 = bank_labels.reshape(_NT, 1, _TM)
    sums, counts = _tc_sweep(labels3, mem)
    blg_r = blg.reshape(1, _B)
    win_r = win.reshape(1, _B)
    il_r = input_labels.reshape(1, _B)
    out = _tc_epilogue(sums, counts, rows, blg_r, win_r, il_r,
                       input_vectors, prototypes)
    return out[0, 0]

# --- scband reference (transcript-rebuilt; emitter-appended) ---
"""Pipeline reference for scband-clustering-75600014344483 (READ-ONLY COPY).

The authoritative reference and input builder live on the scoring server;
editing this copy changes nothing except your own understanding.
"""

import jax, jax.numpy as jnp
import numpy as np

M = 100000
D = 256
B = 4096
K = 99  # num_classes + 1
MOMENTUM = 0.99
MARGIN = 10.0


def setup_inputs(seed: int = 0) -> dict:
    key = jax.random.key(seed)
    k0, k1, k2, k3, k4, k5 = jax.random.split(key, 6)
    mem = jax.random.normal(k0, (M, D), dtype=jnp.float32)
    bank_labels = jax.random.randint(k1, (M,), 0, K, dtype=jnp.int32)
    idx = jax.random.randint(k2, (B,), 0, M, dtype=jnp.int32)
    input_vectors = jax.random.normal(k3, (B, D), dtype=jnp.float32)
    input_labels = jax.random.randint(k4, (B,), 0, K, dtype=jnp.int32)
    prototypes = jax.random.normal(k5, (K, D), dtype=jnp.float32)
    return {
        "mem": mem,
        "bank_labels": bank_labels,
        "idx": idx,
        "input_vectors": input_vectors,
        "input_labels": input_labels,
        "prototypes": prototypes,
    }


def reference(mem, bank_labels, idx, input_vectors, input_labels, prototypes):
    # --- update_feature_bank: scatter-overwrite batch features into the bank ---
    mem_new = mem.at[idx].set(input_vectors)
    bank_labels_new = bank_labels.at[idx].set(input_labels)

    # --- get_feats_prototype: per-class mean over the bank (feature_store.retrieve(-1)) ---
    sums = jax.ops.segment_sum(mem_new, bank_labels_new, num_segments=K)
    counts = jax.ops.segment_sum(
        jnp.ones((M,), dtype=jnp.float32), bank_labels_new, num_segments=K
    )
    new_prototypes = sums / jnp.maximum(counts, 1.0)[:, None]
    # momentum EMA update of prototypes
    proto = MOMENTUM * prototypes + (1.0 - MOMENTUM) * new_prototypes

    # --- clstr_distance_loss: cdist(p=2) of batch features to prototypes ---
    x_sq = jnp.sum(input_vectors * input_vectors, axis=1, keepdims=True)  # [B,1]
    p_sq = jnp.sum(proto * proto, axis=1)[None, :]  # [1,K]
    d2 = x_sq + p_sq - 2.0 * (input_vectors @ proto.T)
    distances = jnp.sqrt(jnp.maximum(d2, 1e-12))  # [B,K]

    # hinge embedding labels: +1 for own class, -1 otherwise
    y = jnp.where(
        input_labels[:, None] == jnp.arange(K, dtype=input_labels.dtype)[None, :],
        1,
        -1,
    )
    # HingeEmbeddingLoss(margin): d if y==1 else max(0, margin - d); mean reduction
    per_elem = jnp.where(
        y == 1, distances, jnp.maximum(0.0, MARGIN - distances)
    )
    loss = jnp.mean(per_elem)
    return loss

if __name__ == "__main__":
    import jax
    _d = setup_inputs()
    print(jax.jit(kernel)(*tuple(_d.values())))

</pallas_src>

<mosaic_0001>
#map = affine_map<(d0, d1) -> (0, 0)>
#map1 = affine_map<(d0, d1) -> (0)>
module attributes {stable_mosaic.version = 14 : i64} {
  func.func @_sc_gather_body(%arg0: i32, %arg1: i32, %arg2: memref<100000x256xf32, #tpu.memory_space<hbm>>, %arg3: memref<100000xi32, #tpu.memory_space<hbm>>, %arg4: memref<4096xi32, #tpu.memory_space<hbm>>, %arg5: memref<4096x256xf32, #tpu.memory_space<hbm>>, %arg6: memref<4096xi32, #tpu.memory_space<hbm>>, %arg7: memref<4096xf32, #tpu.memory_space<hbm>>, %arg8: memref<4096xi32, #tpu.memory_space<vmem>>, %arg9: memref<100000xi32, #tpu.memory_space<vmem>>, %arg10: memref<32x256xf32, #tpu.memory_space<vmem>>, %arg11: memref<128xi32, #tpu.memory_space<vmem>>, %arg12: memref<4096xf32, #tpu.memory_space<vmem>>, %arg13: memref<!tpu.dma_semaphore, #tpu.memory_space<semaphore_mem>>) attributes {dimension_semantics = [#tpu.dimension_semantics<core_parallel>, #tpu.dimension_semantics<subcore_parallel>], iteration_bounds = array<i64: 2, 16>, scalar_prefetch = 0 : i64, scratch_operands = 6 : i64, tpu.core_type = #tpu.core_type<sc_vector_subcore>, window_params = [{transform_indices = #map}, {transform_indices = #map1}, {transform_indices = #map1}, {transform_indices = #map}, {transform_indices = #map1}, {transform_indices = #map1}]} {
    %mul3A = arith.constant 2 : i32
    %mul3A_0 = arith.muli %arg1, %mul3A : i32
    %add3A = arith.addi %mul3A_0, %arg0 : i32
    %mul3A_1 = arith.constant 128 : i32
    %mul3A_2 = arith.muli %add3A, %mul3A_1 : i32
    %eq3A = arith.constant 0 : i32
    %eq3A_3 = arith.cmpi eq, %add3A, %eq3A : i32
    %convert_element_type3A = arith.extui %eq3A_3 : i1 to i32
    %cond3A = arith.constant 0 : i32
    %cond3A_4 = arith.cmpi ne, %convert_element_type3A, %cond3A : i32
    scf.if %cond3A_4 {
      "tpu.region"() ({
        %run_scoped3A = tpu.sem_alloc : memref<!tpu.dma_semaphore, #tpu.memory_space<semaphore_mem>>
        tpu.enqueue_dma source(%arg4 : memref<4096xi32, #tpu.memory_space<hbm>>) target(%arg8 : memref<4096xi32, #tpu.memory_space<vmem>>) target_semaphore(%run_scoped3A : memref<!tpu.dma_semaphore, #tpu.memory_space<semaphore_mem>>)
        tpu.wait_dma2 semaphore(%run_scoped3A : memref<!tpu.dma_semaphore, #tpu.memory_space<semaphore_mem>>) src(%arg4 : memref<4096xi32, #tpu.memory_space<hbm>>) dst(%arg8 : memref<4096xi32, #tpu.memory_space<vmem>>)
        tpu.yield
      }) : () -> ()
    } else {
    }
    %ne3A = arith.constant 0 : i32
    %ne3A_5 = arith.cmpi ne, %add3A, %ne3A : i32
    %convert_element_type3A_6 = arith.extui %ne3A_5 : i1 to i32
    %cond3A_7 = arith.constant 0 : i32
    %cond3A_8 = arith.cmpi ne, %convert_element_type3A_6, %cond3A_7 : i32
    scf.if %cond3A_8 {
      "tpu.region"() ({
        %run_scoped3A = tpu.sem_alloc : memref<!tpu.dma_semaphore, #tpu.memory_space<semaphore_mem>>
        %dma_start3A_23 = tpu.memref_slice %arg8[%mul3A_2] : memref<4096xi32, #tpu.memory_space<vmem>> -> memref<128xi32, #tpu.memory_space<vmem>>
        %dma_start3A_24 = tpu.memref_slice %arg4[%mul3A_2] : memref<4096xi32, #tpu.memory_space<hbm>> -> memref<128xi32, #tpu.memory_space<hbm>>
        %dma_start3A_25 = tpu.memref_slice %arg8[%mul3A_2] : memref<4096xi32, #tpu.memory_space<vmem>> -> memref<128xi32, #tpu.memory_space<vmem>>
        %dma_start3A_26 = tpu.memref_slice %arg4[%mul3A_2] : memref<4096xi32, #tpu.memory_space<hbm>> -> memref<128xi32, #tpu.memory_space<hbm>>
        tpu.enqueue_dma source(%dma_start3A_26 : memref<128xi32, #tpu.memory_space<hbm>>) target(%dma_start3A_25 : memref<128xi32, #tpu.memory_space<vmem>>) target_semaphore(%run_scoped3A : memref<!tpu.dma_semaphore, #tpu.memory_space<semaphore_mem>>)
        %dma_wait3A_27 = tpu.memref_slice %arg8[%mul3A_2] : memref<4096xi32, #tpu.memory_space<vmem>> -> memref<128xi32, #tpu.memory_space<vmem>>
        %dma_wait3A_28 = tpu.memref_slice %arg4[%mul3A_2] : memref<4096xi32, #tpu.memory_space<hbm>> -> memref<128xi32, #tpu.memory_space<hbm>>
        %dma_wait3A_29 = tpu.memref_slice %arg8[%mul3A_2] : memref<4096xi32, #tpu.memory_space<vmem>> -> memref<128xi32, #tpu.memory_space<vmem>>
        %dma_wait3A_30 = tpu.memref_slice %arg4[%mul3A_2] : memref<4096xi32, #tpu.memory_space<hbm>> -> memref<128xi32, #tpu.memory_space<hbm>>
        tpu.wait_dma2 semaphore(%run_scoped3A : memref<!tpu.dma_semaphore, #tpu.memory_space<semaphore_mem>>) src(%dma_wait3A_30 : memref<128xi32, #tpu.memory_space<hbm>>) dst(%dma_wait3A_29 : memref<128xi32, #tpu.memory_space<vmem>>)
        tpu.yield
      }) : () -> ()
    } else {
    }
    %scan3A = arith.constant 0 : i32
    %scan3A_9 = arith.constant 0 : i32
    %scan3A_10 = arith.constant 4 : i32
    %scan3A_11 = arith.addi %scan3A_9, %scan3A_10 : i32
    %scan3A_12 = arith.constant 1 : i32
    scf.for %scan3A_23 = %scan3A_9 to %scan3A_11 step %scan3A_12  : i32 {
      %mul3A_24 = arith.constant 32 : i32
      %mul3A_25 = arith.muli %scan3A_23, %mul3A_24 : i32
      %add3A_26 = arith.addi %mul3A_2, %mul3A_25 : i32
      %dma_start3A_27 = tpu.memref_slice %arg8[%add3A_26] : memref<4096xi32, #tpu.memory_space<vmem>> -> memref<32xi32, #tpu.memory_space<vmem>>
      %dma_start3A_28 = arith.constant 0 : i32
      %dma_start3A_29 = arith.constant 0 : i32
      %dma_start3A_30 = tpu.memref_slice %arg2[%dma_start3A_28, %dma_start3A_29] : memref<100000x256xf32, #tpu.memory_space<hbm>> -> memref<100000x256xf32, #tpu.memory_space<hbm>>
      tpu.enqueue_indirect_dma source(%dma_start3A_30 : memref<100000x256xf32, #tpu.memory_space<hbm>>) target(%arg10 : memref<32x256xf32, #tpu.memory_space<vmem>>) offsets(%dma_start3A_27 : memref<32xi32, #tpu.memory_space<vmem>>) semaphore(%arg13 : memref<!tpu.dma_semaphore, #tpu.memory_space<semaphore_mem>>)
      %dma_wait3A_31 = tpu.memref_slice %arg8[%add3A_26] : memref<4096xi32, #tpu.memory_space<vmem>> -> memref<32xi32, #tpu.memory_space<vmem>>
      %dma_wait3A_32 = arith.constant 0 : i32
      %dma_wait3A_33 = arith.constant 0 : i32
      %dma_wait3A_34 = tpu.memref_slice %arg2[%dma_wait3A_32, %dma_wait3A_33] : memref<100000x256xf32, #tpu.memory_space<hbm>> -> memref<100000x256xf32, #tpu.memory_space<hbm>>
      tpu.wait_indirect_dma semaphore(%arg13 : memref<!tpu.dma_semaphore, #tpu.memory_space<semaphore_mem>>) src(%dma_wait3A_34 : memref<100000x256xf32, #tpu.memory_space<hbm>>) dst(%arg10 : memref<32x256xf32, #tpu.memory_space<vmem>>)
      "tpu.region"() ({
        %run_scoped3A = tpu.sem_alloc : memref<!tpu.dma_semaphore, #tpu.memory_space<semaphore_mem>>
        %dma_start3A_35 = arith.constant 0 : i32
        %dma_start3A_36 = tpu.memref_slice %arg5[%add3A_26, %dma_start3A_35] : memref<4096x256xf32, #tpu.memory_space<hbm>> -> memref<32x256xf32, #tpu.memory_space<hbm>>
        %dma_start3A_37 = arith.constant 0 : i32
        %dma_start3A_38 = tpu.memref_slice %arg5[%add3A_26, %dma_start3A_37] : memref<4096x256xf32, #tpu.memory_space<hbm>> -> memref<32x256xf32, #tpu.memory_space<hbm>>
        tpu.enqueue_dma source(%arg10 : memref<32x256xf32, #tpu.memory_space<vmem>>) target(%dma_start3A_38 : memref<32x256xf32, #tpu.memory_space<hbm>>) target_semaphore(%run_scoped3A : memref<!tpu.dma_semaphore, #tpu.memory_space<semaphore_mem>>)
        %dma_wait3A_39 = arith.constant 0 : i32
        %dma_wait3A_40 = tpu.memref_slice %arg5[%add3A_26, %dma_wait3A_39] : memref<4096x256xf32, #tpu.memory_space<hbm>> -> memref<32x256xf32, #tpu.memory_space<hbm>>
        %dma_wait3A_41 = arith.constant 0 : i32
        %dma_wait3A_42 = tpu.memref_slice %arg5[%add3A_26, %dma_wait3A_41] : memref<4096x256xf32, #tpu.memory_space<hbm>> -> memref<32x256xf32, #tpu.memory_space<hbm>>
        tpu.wait_dma2 semaphore(%run_scoped3A : memref<!tpu.dma_semaphore, #tpu.memory_space<semaphore_mem>>) src(%arg10 : memref<32x256xf32, #tpu.memory_space<vmem>>) dst(%dma_wait3A_42 : memref<32x256xf32, #tpu.memory_space<hbm>>)
        tpu.yield
      }) : () -> ()
    }
    %scan3A_13 = arith.constant 4 : i32
    %dma_start3A = tpu.memref_slice %arg8[%mul3A_2] : memref<4096xi32, #tpu.memory_space<vmem>> -> memref<128xi32, #tpu.memory_space<vmem>>
    %dma_start3A_14 = arith.constant 0 : i32
    %dma_start3A_15 = tpu.memref_slice %arg3[%dma_start3A_14] : memref<100000xi32, #tpu.memory_space<hbm>> -> memref<100000xi32, #tpu.memory_space<hbm>>
    tpu.enqueue_indirect_dma source(%dma_start3A_15 : memref<100000xi32, #tpu.memory_space<hbm>>) target(%arg11 : memref<128xi32, #tpu.memory_space<vmem>>) offsets(%dma_start3A : memref<128xi32, #tpu.memory_space<vmem>>) semaphore(%arg13 : memref<!tpu.dma_semaphore, #tpu.memory_space<semaphore_mem>>)
    %dma_wait3A = tpu.memref_slice %arg8[%mul3A_2] : memref<4096xi32, #tpu.memory_space<vmem>> -> memref<128xi32, #tpu.memory_space<vmem>>
    %dma_wait3A_16 = arith.constant 0 : i32
    %dma_wait3A_17 = tpu.memref_slice %arg3[%dma_wait3A_16] : memref<100000xi32, #tpu.memory_space<hbm>> -> memref<100000xi32, #tpu.memory_space<hbm>>
    tpu.wait_indirect_dma semaphore(%arg13 : memref<!tpu.dma_semaphore, #tpu.memory_space<semaphore_mem>>) src(%dma_wait3A_17 : memref<100000xi32, #tpu.memory_space<hbm>>) dst(%arg11 : memref<128xi32, #tpu.memory_space<vmem>>)
    "tpu.region"() ({
      %run_scoped3A = tpu.sem_alloc : memref<!tpu.dma_semaphore, #tpu.memory_space<semaphore_mem>>
      %dma_start3A_23 = tpu.memref_slice %arg6[%mul3A_2] : memref<4096xi32, #tpu.memory_space<hbm>> -> memref<128xi32, #tpu.memory_space<hbm>>
      %dma_start3A_24 = tpu.memref_slice %arg6[%mul3A_2] : memref<4096xi32, #tpu.memory_space<hbm>> -> memref<128xi32, #tpu.memory_space<hbm>>
      tpu.enqueue_dma source(%arg11 : memref<128xi32, #tpu.memory_space<vmem>>) target(%dma_start3A_24 : memref<128xi32, #tpu.memory_space<hbm>>) target_semaphore(%run_scoped3A : memref<!tpu.dma_semaphore, #tpu.memory_space<semaphore_mem>>)
      %dma_wait3A_25 = tpu.memref_slice %arg6[%mul3A_2] : memref<4096xi32, #tpu.memory_space<hbm>> -> memref<128xi32, #tpu.memory_space<hbm>>
      %dma_wait3A_26 = tpu.memref_slice %arg6[%mul3A_2] : memref<4096xi32, #tpu.memory_space<hbm>> -> memref<128xi32, #tpu.memory_space<hbm>>
      tpu.wait_dma2 semaphore(%run_scoped3A : memref<!tpu.dma_semaphore, #tpu.memory_space<semaphore_mem>>) src(%arg11 : memref<128xi32, #tpu.memory_space<vmem>>) dst(%dma_wait3A_26 : memref<128xi32, #tpu.memory_space<hbm>>)
      tpu.yield
    }) : () -> ()
    %eq3A_18 = arith.constant 0 : i32
    %eq3A_19 = arith.cmpi eq, %add3A, %eq3A_18 : i32
    %convert_element_type3A_20 = arith.extui %eq3A_19 : i1 to i32
    %cond3A_21 = arith.constant 0 : i32
    %cond3A_22 = arith.cmpi ne, %convert_element_type3A_20, %cond3A_21 : i32
    scf.if %cond3A_22 {
      %scan3A_23 = arith.constant 0 : i32
      %scan3A_24 = arith.constant 0 : i32
      %scan3A_25 = arith.constant 256 : i32
      %scan3A_26 = arith.addi %scan3A_24, %scan3A_25 : i32
      %scan3A_27 = arith.constant 1 : i32
      scf.for %scan3A_35 = %scan3A_24 to %scan3A_26 step %scan3A_27  : i32 {
        %mul3A_36 = arith.constant 16 : i32
        %mul3A_37 = arith.muli %scan3A_35, %mul3A_36 : i32
        %get3A = arith.index_cast %mul3A_37 : i32 to index
        %get3A_38 = tpu.vector_load %arg8[%get3A] {strides = array<i32>} : memref<4096xi32, #tpu.memory_space<vmem>>, vector<16xi32>,
        %iota3A = tpu.iota {dimensions = array<i32: 0>} : vector<16xi32>
        %mul3A_39 = arith.constant 16 : i32
        %mul3A_40 = arith.muli %scan3A_35, %mul3A_39 : i32
        %add3A_41 = vector.broadcast %mul3A_40 : i32 to vector<16xi32>
        %add3A_42 = arith.addi %iota3A, %add3A_41 : vector<16xi32>
        tpu.vector_store_idx %arg9[%get3A_38], %add3A_42 : memref<100000xi32, #tpu.memory_space<vmem>>[vector<16xi32>], vector<16xi32>,
      }
      %scan3A_28 = arith.constant 256 : i32
      %scan3A_29 = arith.constant 0 : i32
      %scan3A_30 = arith.constant 0 : i32
      %scan3A_31 = arith.constant 256 : i32
      %scan3A_32 = arith.addi %scan3A_30, %scan3A_31 : i32
      %scan3A_33 = arith.constant 1 : i32
      scf.for %scan3A_35 = %scan3A_30 to %scan3A_32 step %scan3A_33  : i32 {
        %mul3A_36 = arith.constant 16 : i32
        %mul3A_37 = arith.muli %scan3A_35, %mul3A_36 : i32
        %get3A = arith.index_cast %mul3A_37 : i32 to index
        %get3A_38 = tpu.vector_load %arg8[%get3A] {strides = array<i32>} : memref<4096xi32, #tpu.memory_space<vmem>>, vector<16xi32>,
        %iota3A = tpu.iota {dimensions = array<i32: 0>} : vector<16xi32>
        %mul3A_39 = arith.constant 16 : i32
        %mul3A_40 = arith.muli %scan3A_35, %mul3A_39 : i32
        %add3A_41 = vector.broadcast %mul3A_40 : i32 to vector<16xi32>
        %add3A_42 = arith.addi %iota3A, %add3A_41 : vector<16xi32>
        %gather3A = tpu.vector_load_idx %arg9[%get3A_38] : memref<100000xi32, #tpu.memory_space<vmem>>[vector<16xi32>], vector<16xi32>,
        %eq3A_43 = arith.cmpi eq, %gather3A, %add3A_42 : vector<16xi32>
        %jit3A = arith.constant 1.000000e+00 : f32
        %jit3A_44 = arith.constant 0.000000e+00 : f32
        %broadcast_in_dim3A = vector.broadcast %jit3A : f32 to vector<16xf32>
        %broadcast_in_dim3A_45 = vector.broadcast %jit3A_44 : f32 to vector<16xf32>
        %select_n3A = arith.select %eq3A_43, %broadcast_in_dim3A, %broadcast_in_dim3A_45 : vector<16xi1>, vector<16xf32>
        %mul3A_46 = arith.constant 16 : i32
        %mul3A_47 = arith.muli %scan3A_35, %mul3A_46 : i32
        %swap3A = arith.index_cast %mul3A_47 : i32 to index
        %swap3A_48 = tpu.vector_load %arg12[%swap3A] {strides = array<i32>} : memref<4096xf32, #tpu.memory_space<vmem>>, vector<16xf32>,
        tpu.vector_store %arg12[%swap3A], %select_n3A {strides = array<i32>} : memref<4096xf32, #tpu.memory_space<vmem>>, vector<16xf32>,
      }
      %scan3A_34 = arith.constant 256 : i32
      "tpu.region"() ({
        %run_scoped3A = tpu.sem_alloc : memref<!tpu.dma_semaphore, #tpu.memory_space<semaphore_mem>>
        tpu.enqueue_dma source(%arg12 : memref<4096xf32, #tpu.memory_space<vmem>>) target(%arg7 : memref<4096xf32, #tpu.memory_space<hbm>>) target_semaphore(%run_scoped3A : memref<!tpu.dma_semaphore, #tpu.memory_space<semaphore_mem>>)
        tpu.wait_dma2 semaphore(%run_scoped3A : memref<!tpu.dma_semaphore, #tpu.memory_space<semaphore_mem>>) src(%arg12 : memref<4096xf32, #tpu.memory_space<vmem>>) dst(%arg7 : memref<4096xf32, #tpu.memory_space<hbm>>)
        tpu.yield
      }) : () -> ()
    } else {
    }
    return
  }
}

module attributes {stable_mosaic.version = 14 : i64} {
  func.func @_tc_sweep_body(%arg0: i32, %arg1: memref<1x1x10000xi32, #tpu.memory_space<vmem>>, %arg2: memref<10000x256xf32, #tpu.memory_space<vmem>>, %arg3: memref<128x256xf32, #tpu.memory_space<vmem>>, %arg4: memref<128x1xf32, #tpu.memory_space<vmem>>) attributes {dimension_semantics = [#tpu.dimension_semantics<arbitrary>], iteration_bounds = array<i64: 10>, scalar_prefetch = 0 : i64, scratch_operands = 0 : i64, tpu.core_type = #tpu.core_type<tc>, window_params = [{transform_indices = @transform_0, window_bounds = array<i64: 1, 1, 10000>}, {transform_indices = @transform_1, window_bounds = array<i64: 10000, 256>}, {pipeline_mode = #tpu.pipeline_mode<synchronous>, transform_indices = @transform_2, window_bounds = array<i64: 128, 256>}, {pipeline_mode = #tpu.pipeline_mode<synchronous>, transform_indices = @transform_3, window_bounds = array<i64: 128, 1>}]} {
    %eq3A = arith.constant 0 : i32
    %eq3A_0 = arith.cmpi eq, %arg0, %eq3A : i32
    %convert_element_type3A = arith.extui %eq3A_0 : i1 to i32
    %cond3A = arith.constant 0 : i32
    %cond3A_1 = arith.cmpi ne, %convert_element_type3A, %cond3A : i32
    scf.if %cond3A_1 {
      %broadcast_in_dim3A_31 = arith.constant 0.000000e+00 : f32
      %broadcast_in_dim3A_32 = vector.broadcast %broadcast_in_dim3A_31 : f32 to vector<128x256xf32>
      %swap3A_33 = arith.constant 0 : index
      %swap3A_34 = arith.constant 0 : index
      %swap3A_35 = vector.load %arg3[%swap3A_33, %swap3A_34] : memref<128x256xf32, #tpu.memory_space<vmem>>, vector<128x256xf32>
      tpu.vector_store %arg3[%swap3A_33, %swap3A_34], %broadcast_in_dim3A_32 {strides = array<i32>} : memref<128x256xf32, #tpu.memory_space<vmem>>, vector<128x256xf32>,
      %broadcast_in_dim3A_36 = arith.constant 0.000000e+00 : f32
      %broadcast_in_dim3A_37 = vector.broadcast %broadcast_in_dim3A_36 : f32 to vector<128x1xf32>
      %swap3A_38 = arith.constant 0 : index
      %swap3A_39 = arith.constant 0 : index
      %swap3A_40 = vector.load %arg4[%swap3A_38, %swap3A_39] : memref<128x1xf32, #tpu.memory_space<vmem>>, vector<128x1xf32>
      tpu.vector_store %arg4[%swap3A_38, %swap3A_39], %broadcast_in_dim3A_37 {strides = array<i32>} : memref<128x1xf32, #tpu.memory_space<vmem>>, vector<128x1xf32>,
    } else {
    }
    %get3A = arith.constant 0 : index
    %get3A_2 = arith.constant 0 : index
    %get3A_3 = arith.constant 0 : index
    %get3A_4 = vector.load %arg1[%get3A, %get3A_2, %get3A_3] : memref<1x1x10000xi32, #tpu.memory_space<vmem>>, vector<1x1x10000xi32>
    %get3A_5 = vector.shape_cast %get3A_4 : vector<1x1x10000xi32> to vector<1x10000xi32>
    %convert_element_type3A_6 = arith.sitofp %get3A_5 : vector<1x10000xi32> to vector<1x10000xbf16>
    %iota3A = tpu.iota {dimensions = array<i32: 0>} : vector<128x10000xi32>
    %convert_element_type3A_7 = arith.sitofp %iota3A : vector<128x10000xi32> to vector<128x10000xbf16>
    %eq3A_8 = vector.broadcast %convert_element_type3A_6 : vector<1x10000xbf16> to vector<128x10000xbf16>
    %eq3A_9 = arith.cmpf oeq, %eq3A_8, %convert_element_type3A_7 : vector<128x10000xbf16>
    %jit3A = arith.constant 1.000000e+00 : bf16
    %jit3A_10 = arith.constant 0.000000e+00 : bf16
    %broadcast_in_dim3A = vector.broadcast %jit3A : bf16 to vector<128x10000xbf16>
    %broadcast_in_dim3A_11 = vector.broadcast %jit3A_10 : bf16 to vector<128x10000xbf16>
    %select_n3A = arith.select %eq3A_9, %broadcast_in_dim3A, %broadcast_in_dim3A_11 : vector<128x10000xi1>, vector<128x10000xbf16>
    %get3A_12 = arith.constant 0 : index
    %get3A_13 = arith.constant 0 : index
    %get3A_14 = vector.load %arg3[%get3A_12, %get3A_13] : memref<128x256xf32, #tpu.memory_space<vmem>>, vector<128x256xf32>
    %get3A_15 = arith.constant 0 : index
    %get3A_16 = arith.constant 0 : index
    %get3A_17 = vector.load %arg2[%get3A_15, %get3A_16] : memref<10000x256xf32, #tpu.memory_space<vmem>>, vector<10000x256xf32>
    %dot_general3A = arith.constant dense<0.000000e+00> : vector<128x256xf32>
    %dot_general3A_18 = tpu.matmul %select_n3A, %get3A_17, %dot_general3A {dimension_numbers = #tpu.dot_dimension_numbers<[1], [0], [0], [1], [0, 0, 1, 1], [], []>, transpose_lhs_hint = false} : vector<128x10000xbf16>, vector<10000x256xf32>, vector<128x256xf32> -> vector<128x256xf32>
    %add3A = arith.addf %get3A_14, %dot_general3A_18 : vector<128x256xf32>
    %swap3A = arith.constant 0 : index
    %swap3A_19 = arith.constant 0 : index
    %swap3A_20 = vector.load %arg3[%swap3A, %swap3A_19] : memref<128x256xf32, #tpu.memory_space<vmem>>, vector<128x256xf32>
    tpu.vector_store %arg3[%swap3A, %swap3A_19], %add3A {strides = array<i32>} : memref<128x256xf32, #tpu.memory_space<vmem>>, vector<128x256xf32>,
    %get3A_21 = arith.constant 0 : index
    %get3A_22 = arith.constant 0 : index
    %get3A_23 = vector.load %arg4[%get3A_21, %get3A_22] : memref<128x1xf32, #tpu.memory_space<vmem>>, vector<128x1xf32>
    %convert_element_type3A_24 = arith.extf %select_n3A : vector<128x10000xbf16> to vector<128x10000xf32>
    %reduce_sum3A = arith.constant dense<0.000000e+00> : vector<128xf32>
    %reduce_sum3A_25 = vector.multi_reduction <add>, %convert_element_type3A_24, %reduce_sum3A [1] : vector<128x10000xf32> to vector<128xf32>
    %broadcast_in_dim3A_26 = vector.shape_cast %reduce_sum3A_25 : vector<128xf32> to vector<128x1xf32>
    %add3A_27 = arith.addf %get3A_23, %broadcast_in_dim3A_26 : vector<128x1xf32>
    %swap3A_28 = arith.constant 0 : index
    %swap3A_29 = arith.constant 0 : index
    %swap3A_30 = vector.load %arg4[%swap3A_28, %swap3A_29] : memref<128x1xf32, #tpu.memory_space<vmem>>, vector<128x1xf32>
    tpu.vector_store %arg4[%swap3A_28, %swap3A_29], %add3A_27 {strides = array<i32>} : memref<128x1xf32, #tpu.memory_space<vmem>>, vector<128x1xf32>,
    return
  }
  func.func @transform_0(%arg0: i32) -> (i32, i32, i32) {
    %c0_i32 = arith.constant 0 : i32
    %c0_i32_0 = arith.constant 0 : i32
    %c0_i32_1 = arith.constant 0 : i32
    return %arg0, %c0_i32, %c0_i32_0 : i32, i32, i32
  }
  func.func @transform_1(%arg0: i32) -> (i32, i32) {
    %c0_i32 = arith.constant 0 : i32
    %c0_i32_0 = arith.constant 0 : i32
    return %arg0, %c0_i32 : i32, i32
  }
  func.func @transform_2(%arg0: i32) -> (i32, i32) {
    %c0_i32 = arith.constant 0 : i32
    %c0_i32_0 = arith.constant 0 : i32
    %c0_i32_1 = arith.constant 0 : i32
    return %c0_i32, %c0_i32_0 : i32, i32
  }
  func.func @transform_3(%arg0: i32) -> (i32, i32) {
    %c0_i32 = arith.constant 0 : i32
    %c0_i32_0 = arith.constant 0 : i32
    %c0_i32_1 = arith.constant 0 : i32
    return %c0_i32, %c0_i32_0 : i32, i32
  }
}

module attributes {stable_mosaic.version = 14 : i64} {
  func.func @_tc_epilogue_body(%arg0: memref<128x256xf32, #tpu.memory_space<vmem>>, %arg1: memref<128x1xf32, #tpu.memory_space<vmem>>, %arg2: memref<4096x256xf32, #tpu.memory_space<vmem>>, %arg3: memref<1x4096xi32, #tpu.memory_space<vmem>>, %arg4: memref<1x4096xf32, #tpu.memory_space<vmem>>, %arg5: memref<1x4096xi32, #tpu.memory_space<vmem>>, %arg6: memref<4096x256xf32, #tpu.memory_space<vmem>>, %arg7: memref<99x256xf32, #tpu.memory_space<vmem>>, %arg8: memref<1x1xf32, #tpu.memory_space<vmem>>) attributes {dimension_semantics = [], scalar_prefetch = 0 : i64, scratch_operands = 0 : i64, tpu.core_type = #tpu.core_type<tc>} {
    %iota3A = tpu.iota {dimensions = array<i32: 0>} : vector<128x4096xi32>
    %get3A = arith.constant 0 : index
    %get3A_0 = arith.constant 0 : index
    %get3A_1 = vector.load %arg4[%get3A, %get3A_0] : memref<1x4096xf32, #tpu.memory_space<vmem>>, vector<1x4096xf32>
    %get3A_2 = arith.constant 0 : index
    %get3A_3 = arith.constant 0 : index
    %get3A_4 = vector.load %arg3[%get3A_2, %get3A_3] : memref<1x4096xi32, #tpu.memory_space<vmem>>, vector<1x4096xi32>
    %eq3A = vector.broadcast %get3A_4 : vector<1x4096xi32> to vector<128x4096xi32>
    %eq3A_5 = arith.cmpi eq, %eq3A, %iota3A : vector<128x4096xi32>
    %jit3A = arith.constant 0.000000e+00 : f32
    %broadcast_in_dim3A = vector.shape_cast %get3A_1 : vector<1x4096xf32> to vector<1x4096xf32>
    %broadcast_in_dim3A_6 = vector.broadcast %broadcast_in_dim3A : vector<1x4096xf32> to vector<128x4096xf32>
    %broadcast_in_dim3A_7 = vector.broadcast %jit3A : f32 to vector<128x4096xf32>
    %select_n3A = arith.select %eq3A_5, %broadcast_in_dim3A_6, %broadcast_in_dim3A_7 : vector<128x4096xi1>, vector<128x4096xf32>
    %get3A_8 = arith.constant 0 : index
    %get3A_9 = arith.constant 0 : index
    %get3A_10 = vector.load %arg5[%get3A_8, %get3A_9] : memref<1x4096xi32, #tpu.memory_space<vmem>>, vector<1x4096xi32>
    %eq3A_11 = vector.broadcast %get3A_10 : vector<1x4096xi32> to vector<128x4096xi32>
    %eq3A_12 = arith.cmpi eq, %eq3A_11, %iota3A : vector<128x4096xi32>
    %jit3A_13 = arith.constant 0.000000e+00 : f32
    %broadcast_in_dim3A_14 = vector.shape_cast %get3A_1 : vector<1x4096xf32> to vector<1x4096xf32>
    %broadcast_in_dim3A_15 = vector.broadcast %broadcast_in_dim3A_14 : vector<1x4096xf32> to vector<128x4096xf32>
    %broadcast_in_dim3A_16 = vector.broadcast %jit3A_13 : f32 to vector<128x4096xf32>
    %select_n3A_17 = arith.select %eq3A_12, %broadcast_in_dim3A_15, %broadcast_in_dim3A_16 : vector<128x4096xi1>, vector<128x4096xf32>
    %get3A_18 = arith.constant 0 : index
    %get3A_19 = arith.constant 0 : index
    %get3A_20 = vector.load %arg6[%get3A_18, %get3A_19] : memref<4096x256xf32, #tpu.memory_space<vmem>>, vector<4096x256xf32>
    %get3A_21 = arith.constant 0 : index
    %get3A_22 = arith.constant 0 : index
    %get3A_23 = vector.load %arg0[%get3A_21, %get3A_22] : memref<128x256xf32, #tpu.memory_space<vmem>>, vector<128x256xf32>
    %dot_general3A = arith.constant dense<0.000000e+00> : vector<128x256xf32>
    %dot_general3A_24 = tpu.matmul %select_n3A_17, %get3A_20, %dot_general3A {dimension_numbers = #tpu.dot_dimension_numbers<[1], [0], [0], [1], [0, 0, 1, 1], [], []>, transpose_lhs_hint = false} : vector<128x4096xf32>, vector<4096x256xf32>, vector<128x256xf32> -> vector<128x256xf32>
    %add3A = arith.addf %get3A_23, %dot_general3A_24 : vector<128x256xf32>
    %get3A_25 = arith.constant 0 : index
    %get3A_26 = arith.constant 0 : index
    %get3A_27 = vector.load %arg2[%get3A_25, %get3A_26] : memref<4096x256xf32, #tpu.memory_space<vmem>>, vector<4096x256xf32>
    %dot_general3A_28 = arith.constant dense<0.000000e+00> : vector<128x256xf32>
    %dot_general3A_29 = tpu.matmul %select_n3A, %get3A_27, %dot_general3A_28 {dimension_numbers = #tpu.dot_dimension_numbers<[1], [0], [0], [1], [0, 0, 1, 1], [], []>, transpose_lhs_hint = false} : vector<128x4096xf32>, vector<4096x256xf32>, vector<128x256xf32> -> vector<128x256xf32>
    %sub3A = arith.subf %add3A, %dot_general3A_29 : vector<128x256xf32>
    %get3A_30 = arith.constant 0 : index
    %get3A_31 = arith.constant 0 : index
    %get3A_32 = vector.load %arg1[%get3A_30, %get3A_31] : memref<128x1xf32, #tpu.memory_space<vmem>>, vector<128x1xf32>
    %sub3A_33 = arith.subf %select_n3A_17, %select_n3A : vector<128x4096xf32>
    %reduce_sum3A = arith.constant dense<0.000000e+00> : vector<128xf32>
    %reduce_sum3A_34 = vector.multi_reduction <add>, %sub3A_33, %reduce_sum3A [1] : vector<128x4096xf32> to vector<128xf32>
    %broadcast_in_dim3A_35 = vector.shape_cast %reduce_sum3A_34 : vector<128xf32> to vector<128x1xf32>
    %add3A_36 = arith.addf %get3A_32, %broadcast_in_dim3A_35 : vector<128x1xf32>
    %get3A_37 = arith.constant 0 : index
    %get3A_38 = arith.constant 0 : index
    %get3A_39 = vector.load %arg7[%get3A_37, %get3A_38] : memref<99x256xf32, #tpu.memory_space<vmem>>, vector<99x256xf32>
    %broadcast_in_dim3A_40 = arith.constant 0.000000e+00 : f32
    %broadcast_in_dim3A_41 = vector.broadcast %broadcast_in_dim3A_40 : f32 to vector<29x256xf32>
    %concatenate3A = tpu.concatenate %get3A_39, %broadcast_in_dim3A_41 in 0 : vector<99x256xf32>, vector<29x256xf32> -> vector<128x256xf32>
    %mul3A = arith.constant 9.900000e-01 : f32
    %mul3A_42 = vector.broadcast %mul3A : f32 to vector<128x256xf32>
    %mul3A_43 = arith.mulf %mul3A_42, %concatenate3A : vector<128x256xf32>
    %max3A = arith.constant 1.000000e+00 : f32
    %max3A_44 = vector.broadcast %max3A : f32 to vector<128x1xf32>
    %max3A_45 = arith.maximumf %add3A_36, %max3A_44 : vector<128x1xf32>
    %div3A = vector.broadcast %max3A_45 : vector<128x1xf32> to vector<128x256xf32>
    %div3A_46 = arith.divf %sub3A, %div3A : vector<128x256xf32>
    %mul3A_47 = arith.constant 0.00999999977 : f32
    %mul3A_48 = vector.broadcast %mul3A_47 : f32 to vector<128x256xf32>
    %mul3A_49 = arith.mulf %mul3A_48, %div3A_46 : vector<128x256xf32>
    %add3A_50 = arith.addf %mul3A_43, %mul3A_49 : vector<128x256xf32>
    %dot_general3A_51 = arith.constant dense<0.000000e+00> : vector<128x4096xf32>
    %dot_general3A_52 = tpu.matmul %add3A_50, %get3A_20, %dot_general3A_51 {dimension_numbers = #tpu.dot_dimension_numbers<[1], [1], [0], [0], [0, 0, 1, 0], [], []>, transpose_lhs_hint = false} : vector<128x256xf32>, vector<4096x256xf32>, vector<128x4096xf32> -> vector<128x4096xf32>
    %broadcast_in_dim3A_53 = arith.constant 1.000000e+00 : f32
    %broadcast_in_dim3A_54 = vector.broadcast %broadcast_in_dim3A_53 : f32 to vector<1x256xf32>
    %mul3A_55 = arith.mulf %get3A_20, %get3A_20 : vector<4096x256xf32>
    %dot_general3A_56 = arith.constant dense<0.000000e+00> : vector<1x4096xf32>
    %dot_general3A_57 = tpu.matmul %broadcast_in_dim3A_54, %mul3A_55, %dot_general3A_56 {dimension_numbers = #tpu.dot_dimension_numbers<[1], [1], [0], [0], [0, 0, 1, 0], [], []>, transpose_lhs_hint = false} : vector<1x256xf32>, vector<4096x256xf32>, vector<1x4096xf32> -> vector<1x4096xf32>
    %mul3A_58 = arith.mulf %add3A_50, %add3A_50 : vector<128x256xf32>
    %reduce_sum3A_59 = arith.constant dense<0.000000e+00> : vector<128xf32>
    %reduce_sum3A_60 = vector.multi_reduction <add>, %mul3A_58, %reduce_sum3A_59 [1] : vector<128x256xf32> to vector<128xf32>
    %broadcast_in_dim3A_61 = vector.shape_cast %reduce_sum3A_60 : vector<128xf32> to vector<128x1xf32>
    %add3A_62 = vector.broadcast %broadcast_in_dim3A_61 : vector<128x1xf32> to vector<128x4096xf32>
    %add3A_63 = vector.broadcast %dot_general3A_57 : vector<1x4096xf32> to vector<128x4096xf32>
    %add3A_64 = arith.addf %add3A_62, %add3A_63 : vector<128x4096xf32>
    %mul3A_65 = arith.constant 2.000000e+00 : f32
    %mul3A_66 = vector.broadcast %mul3A_65 : f32 to vector<128x4096xf32>
    %mul3A_67 = arith.mulf %mul3A_66, %dot_general3A_52 : vector<128x4096xf32>
    %sub3A_68 = arith.subf %add3A_64, %mul3A_67 : vector<128x4096xf32>
    %max3A_69 = arith.constant 9.99999996E-13 : f32
    %max3A_70 = vector.broadcast %max3A_69 : f32 to vector<128x4096xf32>
    %max3A_71 = arith.maximumf %sub3A_68, %max3A_70 : vector<128x4096xf32>
    %sqrt3A = math.sqrt %max3A_71 : vector<128x4096xf32>
    %get3A_72 = arith.constant 0 : index
    %get3A_73 = arith.constant 0 : index
    %get3A_74 = vector.load %arg5[%get3A_72, %get3A_73] : memref<1x4096xi32, #tpu.memory_space<vmem>>, vector<1x4096xi32>
    %eq3A_75 = vector.broadcast %get3A_74 : vector<1x4096xi32> to vector<128x4096xi32>
    %eq3A_76 = arith.cmpi eq, %eq3A_75, %iota3A : vector<128x4096xi32>
    %sub3A_77 = arith.constant 1.000000e+01 : f32
    %sub3A_78 = vector.broadcast %sub3A_77 : f32 to vector<128x4096xf32>
    %sub3A_79 = arith.subf %sub3A_78, %sqrt3A : vector<128x4096xf32>
    %max3A_80 = arith.constant 0.000000e+00 : f32
    %max3A_81 = vector.broadcast %max3A_80 : f32 to vector<128x4096xf32>
    %max3A_82 = arith.maximumf %max3A_81, %sub3A_79 : vector<128x4096xf32>
    %select_n3A_83 = arith.select %eq3A_76, %sqrt3A, %max3A_82 : vector<128x4096xi1>, vector<128x4096xf32>
    %lt3A = arith.constant 99 : i32
    %lt3A_84 = vector.broadcast %lt3A : i32 to vector<128x4096xi32>
    %lt3A_85 = arith.cmpi slt, %iota3A, %lt3A_84 : vector<128x4096xi32>
    %jit3A_86 = arith.constant 0.000000e+00 : f32
    %broadcast_in_dim3A_87 = vector.broadcast %jit3A_86 : f32 to vector<128x4096xf32>
    %select_n3A_88 = arith.select %lt3A_85, %select_n3A_83, %broadcast_in_dim3A_87 : vector<128x4096xi1>, vector<128x4096xf32>
    %reduce_sum3A_89 = vector.shape_cast %select_n3A_88 : vector<128x4096xf32> to vector<1x128x4096xf32>
    %reduce_sum3A_90 = arith.constant dense<0.000000e+00> : vector<1xf32>
    %reduce_sum3A_91 = vector.multi_reduction <add>, %reduce_sum3A_89, %reduce_sum3A_90 [1, 2] : vector<1x128x4096xf32> to vector<1xf32>
    %reduce_sum3A_92 = vector.shape_cast %reduce_sum3A_91 : vector<1xf32> to vector<1x1x1xf32>
    %reduce_sum3A_93 = vector.extract %reduce_sum3A_92[0, 0, 0] : f32 from vector<1x1x1xf32>
    %div3A_94 = arith.constant 4.055040e+05 : f32
    %div3A_95 = arith.divf %reduce_sum3A_93, %div3A_94 : f32
    %broadcast_in_dim3A_96 = arith.constant 1.000000e+00 : f32
    %broadcast_in_dim3A_97 = vector.broadcast %broadcast_in_dim3A_96 : f32 to vector<1x1xf32>
    %mul3A_98 = vector.broadcast %div3A_95 : f32 to vector<1x1xf32>
    %mul3A_99 = arith.mulf %mul3A_98, %broadcast_in_dim3A_97 : vector<1x1xf32>
    %swap3A = arith.constant 0 : index
    %swap3A_100 = arith.constant 0 : index
    %swap3A_101 = vector.load %arg8[%swap3A, %swap3A_100] : memref<1x1xf32, #tpu.memory_space<vmem>>, vector<1x1xf32>
    tpu.vector_store %arg8[%swap3A, %swap3A_100], %mul3A_99 {strides = array<i32>} : memref<1x1xf32, #tpu.memory_space<vmem>>, vector<1x1xf32>,
    return
  }
}

</mosaic_0001>

<sc_bundles>
// kernel: kernel.5.cloned.1.call-start
scs
__scs_entry_jumppad:
0x0: {  	(pc) =	sbr.rel $0x88, $3  }
0x1: {  	(tag) =	ssettag $0x0;
	lr =	simm.s32 $0x1  }
0x2: {  	[smem:$0x3F9B] =	sst lr;
	_ =	strace $0xD0000000  }
0x3: {  	_ = 	snop  }
0x4: {  	_ = 	snop  }
0x5: {  	_ = 	snop  }
0x6: {  	_ = 	snop  }
0x7: {  	_ = 	snop  }
__scs_overlays_trampoline_lowered:
0x8: {  	[smem:$0x3FAA] =	sst s0  }
0x9: {  	[smem:$0x3FAB] =	sst s1  }
0xa: {  	[smem:$0x3FAC] =	sst s2  }
0xb: {  	[smem:$0x3FAD] =	sst s3  }
0xc: {  	[smem:$0x3FAE] =	sst s4  }
0xd: {  	[smem:$0x3FAF] =	sst s5  }
0xe: {  	[smem:$0x3FB0] =	sst s6  }
0xf: {  	[smem:$0x3FB1] =	sst s7  }
0x10: {  	[smem:$0x3FB2] =	sst s8  }
0x11: {  	[smem:$0x3FB3] =	sst s9;
	s0 =	simm.s32 @!p0 $0x0  }
0x12: {  	s1 =	sld [smem:$0x3F99];
	s0 =	simm.s32 @p0 $0x1  }
0x13: {  	[smem:$0x3FB4] =	sst s0;
	s0 =	simm.s32 @!p1 $0x0  }
0x14: {  	s2 =	sld [smem:$0x3F98];
	s0 =	simm.s32 @p1 $0x1  }
0x15: {  	[smem:$0x3FB5] =	sst s0;
	s0 =	simm.s32 @!p2 $0x0  }
0x16: {  	s3 =	sld [smem:$0x3FDB];
	s0 =	simm.s32 @p2 $0x1  }
0x17: {  	s4 =	simm.s32 $0x1BF5;
	[smem:$0x3FB7] =	sst s0  }
0x18: {  	s0 =	sld [smem:$0x3F9A];
	_ =	swait.ge [sflag:s4], $0x0  }
0x19: {  	s7 =	sld [smem:$0x3F9B]  }
0x1a: {  	s8 =	sadd.s32 $0xFFFFE003, lr  }
0x1b: {  	s9 =	sadd.s32 $0xFFFFFEF7, lr;
	s5 =	simm.s32 $0xFFFFFFFF;
	p2 =	slt.u32 s8, $0xFFFFF086  }
0x1c: {  	p1 =	slt.u32 s9, $0xF7A;
	s5 =	simm.s32 @!p2 $0x0  }
0x1d: {  	s5 =	simm.s32 @p1 $0x1;
	p0 =	seq.s32 s7, s2  }
0x1e: {  	s7 =	smul.u32 @!p0 $0xF7A, s2;
	p2 =	seq.s32 @!p0 s5, $0x0  }
0x1f: {  	s9 =	smul.u32 $0xF7A, s1;
	s8 =	simm.s32 @!p0 $0x1BF5;
	p2 =	por !p2, p0  }
0x20: {  	[sflag:s8] =	ssyncset.s32 @!p0 $0xFFFFF086;
	s6 =	sadd.s32 @!p0 s3, s7;
	s7 =	simm.s32 @!p0 $0x108  }
0x21: {  	s3 =	sadd.s32 s3, s9;
	s6 =	sadd.s32 @!p0 $0x88, s6;
	s7 =	simm.s32 @p2 $0x1082  }
0x22: {  	[simem:s7], [sflag:s8] =	dma.local @!p0 [hbm:s6], $0xF7A  }
0x23: {  	s9 =	sor.u32 $0xD0000000, s2;
	s6 =	simm.s32 $0x108;
	_ =	swait.ge @!p0 [sflag:s8], $0x0  }
0x24: {  	s3 =	sadd.s32 $0x88, s3;
	s6 =	simm.s32 @!p1 $0x1082;
	[sflag:s4] =	ssyncset.s32 $0xFFFFF086  }
0x25: {  	[simem:s6], [sflag:s4] =	dma.local [hbm:s3], $0xF7A  }
0x26: {  	[smem:$0x3F9B] =	sst s1;
	(tag) =	ssettag s2;
	_ =	strace s9  }
0x27: {  	s1 =	sld [smem:$0x3FAB]  }
0x28: {  	s2 =	sld [smem:$0x3FAC]  }
0x29: {  	s4 =	sld [smem:$0x3FAE]  }
0x2a: {  	p0 =	seq.s32 s5, $0x0;
	s5 =	sld [smem:$0x3FAF]  }
0x2b: {  	s6 =	sld [smem:$0x3FB0]  }
0x2c: {  	s7 =	sld [smem:$0x3FB1]  }
0x2d: {  	s3 =	simm.s32 $0x108;
	s8 =	sld [smem:$0x3FB2]  }
0x2e: {  	s3 =	simm.s32 @!p0 $0x1082;
	s9 =	sld [smem:$0x3FB3]  }
0x2f: {  	lr =	sadd.s32 s0, s3;
	s0 =	sld [smem:$0x3FAA]  }
0x30: {  	s3 =	sld [smem:$0x3FAD]  }
0x31: {  	[smem:$0x3FB6] =	sst s10  }
0x32: {  	s10 =	sld [smem:$0x3FB4];
	_ =	sdelay $0x3  }
0x33: {  	p0 =	seq.s32 s10, $0x1;
	s10 =	sld [smem:$0x3FB6];
	_ =	sdelay $0x3  }
0x34: {  	[smem:$0x3FB6] =	sst s10  }
0x35: {  	s10 =	sld [smem:$0x3FB5];
	_ =	sdelay $0x3  }
0x36: {  	p1 =	seq.s32 s10, $0x1;
	s10 =	sld [smem:$0x3FB6];
	_ =	sdelay $0x3  }
0x37: {  	[smem:$0x3FB6] =	sst s10  }
0x38: {  	s10 =	sld [smem:$0x3FB7]  }
0x39: {  	_ = 	snop;
	(pc) =	sbr.ind lr, $3  }
0x3a: {  	_ = 	snop  }
0x3b: {  	_ = 	snop  }
0x3c: {  	p2 =	seq.s32 s10, $0x1;
	s10 =	sld [smem:$0x3FB6]  }
0x3d: {  	_ =	shalt  }
0x3e: {  	_ =	shalt  }
0x3f: {  	_ =	shalt  }
0x40: {  	_ =	shalt  }
0x41: {  	_ =	shalt  }
0x42: {  	_ =	shalt  }
0x43: {  	_ =	shalt  }
0x44: {  	_ =	shalt  }
0x45: {  	_ =	shalt  }
0x46: {  	_ =	shalt  }
0x47: {  	_ =	shalt  }
0x48: {  	_ =	shalt  }
0x49: {  	_ =	shalt  }
0x4a: {  	_ =	shalt  }
0x4b: {  	_ =	shalt  }
0x4c: {  	_ =	shalt  }
0x4d: {  	_ =	shalt  }
0x4e: {  	_ =	shalt  }
0x4f: {  	_ =	shalt  }
0x50: {  	_ =	shalt  }
0x51: {  	_ =	shalt  }
0x52: {  	_ =	shalt  }
0x53: {  	_ =	shalt  }
0x54: {  	_ =	shalt  }
0x55: {  	_ =	shalt  }
0x56: {  	_ =	shalt  }
0x57: {  	_ =	shalt  }
0x58: {  	_ =	shalt  }
0x59: {  	_ =	shalt  }
0x5a: {  	_ =	shalt  }
0x5b: {  	_ =	shalt  }
0x5c: {  	_ =	shalt  }
0x5d: {  	_ =	shalt  }
0x5e: {  	_ =	shalt  }
0x5f: {  	_ =	shalt  }
0x60: {  	_ =	shalt  }
0x61: {  	_ =	shalt  }
0x62: {  	_ =	shalt  }
0x63: {  	_ =	shalt  }
0x64: {  	_ =	shalt  }
0x65: {  	_ =	shalt  }
0x66: {  	_ =	shalt  }
0x67: {  	_ =	shalt  }
0x68: {  	_ =	shalt  }
0x69: {  	_ =	shalt  }
0x6a: {  	_ =	shalt  }
0x6b: {  	_ =	shalt  }
0x6c: {  	_ =	shalt  }
0x6d: {  	_ =	shalt  }
0x6e: {  	_ =	shalt  }
0x6f: {  	_ =	shalt  }
0x70: {  	_ =	shalt  }
0x71: {  	_ =	shalt  }
0x72: {  	_ =	shalt  }
0x73: {  	_ =	shalt  }
0x74: {  	_ =	shalt  }
0x75: {  	_ =	shalt  }
0x76: {  	_ =	shalt  }
0x77: {  	_ =	shalt  }
0x78: {  	_ =	shalt  }
0x79: {  	_ =	shalt  }
0x7a: {  	_ =	shalt  }
0x7b: {  	_ =	shalt  }
0x7c: {  	_ =	shalt  }
0x7d: {  	_ =	shalt  }
0x7e: {  	_ =	shalt  }
0x7f: {  	_ =	shalt  }
0x80: {  	_ =	shalt  }
0x81: {  	_ =	shalt  }
0x82: {  	_ =	shalt  }
0x83: {  	_ =	shalt  }
0x84: {  	_ =	shalt  }
0x85: {  	_ =	shalt  }
0x86: {  	_ =	shalt  }
0x87: {  	_ =	shalt  }
.Lfunc_end0:
.L_simem_size_0:
called_computation_lowered:
.L_overlay_start_0:
0x88: {  	s2 =	sld [smem:$0x3FD9]  }
0x89: {  	s3 =	sld [smem:$0x3FFE];
	_ =	sdelay $0x1  }
0x8a: {  	s1 =	srdreg.scid  }
0x8b: {  	s0 =	sand.u32 $0x1, s1  }
0x8c: {  	s17 =	sshll.u32 s0, $0xA;
	s2 =	sadd.s32 s3, s2  }
0x8d: {  	s2 =	sadd.s32 s2, s17  }
0x8e: {  	[smem:$0x3FC2] =	sst s2  }
0x8f: {  	_ = 	snop  }
0x90: {  	s2 =	sld [smem:$0x3FC9]  }
0x91: {  	s18 =	sld [smem:$0x3FC8]  }
0x92: {  	s4 =	sld [smem:$0x3FC7];
	(tm) =	ssettm $0x1  }
0x93: {  	s5 =	sld [smem:$0x3FFB];
	_ =	sdelay $0x3  }
0x94: {  	_ =	strace s5  }
0x95: {  	s5 =	sld [smem:$0x3FFC];
	_ =	sdelay $0x3  }
0x96: {  	_ =	strace s5  }
0x97: {  	s5 =	sld [smem:$0x3FFD];
	_ =	sdelay $0x3  }
0x98: {  	_ =	strace s5  }
0x99: {  	_ =	strace $0x8FFFFFFF  }
0x9a: {  	s19 =	sld [smem:$0x3FDB];
	_ =	sdelay $0x1  }
0x9b: {  	s6 =	simm.s32 $_scs_section_size  }
0x9c: {  	s7 =	simm.s32 $_size__tile_overlayer_lowered;
	s8 =	simm.s32 $_tile_overlayer_lowered  }
0x9d: {  	s22 =	simm.s32 $0x1BFF;
	s21 =	sshll.u32 s8, $0x1;
	s5 =	sadd.s32 s6, s19  }
0x9e: {  	s9 =	simm.s32 $0x0;
	s20 =	sshll.u32 s7, $0x1;
	s7 =	sadd.s32 s21, s5  }
0x9f: {  	[timem:s9], [sflag:s22] =	dma.local [hbm:s7], s20  }
0xa0: {  	_ =	swait.ge [sflag:s22], s20  }
0xa1: {  	s6 =	ssub.s32 $0x0, s20;
	[sflag:s22] =	ssyncset.done $0x0  }
0xa2: {  	[sflag:s22] =	ssyncadd.s32 s6;
	_ =	sdelay $0x1  }
0xa3: {  	s23 =	simm.s32 $0x1B8B  }
0xa4: {  	_ =	swait.ge [sflag:s23], $0x1  }
0xa5: {  	[sflag:s23] =	ssyncset.done $0x0  }
0xa6: {  	s25 =	simm.s32 $0x1B8E;
	s24 =	sld [smem:$0x3FFE];
	[sflag:s23] =	ssyncadd.s32 $0xFFFFFFFF  }
0xa7: {  	s26 =	simm.s32 $execute0_lowered;
	[smem:$0x3FD2] =	sst s25  }
0xa8: {  	s7 =	sshll.u32 s26, $0x1;
	_ =	strace $0x80000046;
	[dreg:$0x1] =	wrdreg $0xFFFFFFFF  }
0xa9: {  	s28 =	simm.s32 $_size_execute0_lowered;
	s5 =	sadd.s32 s5, s7;
	[dreg:$0x0] =	wrdreg $0x0  }
0xaa: {  	s7 =	sshll.u32 s28, $0x1;
	[dreg:$0x2] =	wrdreg s5  }
0xab: {  	[dreg:$0x3] =	wrdreg s7  }
0xac: {  	[dreg:$0x4] =	wrdreg $0xC0  }
0xad: {  	_ =	task [dreg:s9], $0x5FFFF  }
0xae: {  	[dreg:$0x1] =	wrdreg $0xFFFFFFFF  }
0xaf: {  	[dreg:$0x0] =	wrdreg $0x60  }
0xb0: {  	[dreg:$0x2] =	wrdreg s2  }
0xb1: {  	[dreg:$0x3] =	wrdreg s18  }
0xb2: {  	[dreg:$0x4] =	wrdreg s4  }
0xb3: {  	[dreg:$0x5] =	wrdreg s24  }
0xb4: {  	[dreg:$0x6] =	wrdreg $0x9  }
0xb5: {  	_ =	task.clear_ibuf [dreg:s9], $0x7FFFF;
	_ =	strace $0x90000046  }
0xb6: {  	s29 =	simm.s32 $0x9;
	_ =	strace $0x80000048  }
0xb7: {  	_ =	swait.ge [sflag:s29], $0x1  }
0xb8: {  	[sflag:s29] =	ssyncadd.s32 $0xFFFFFFFF  }
0xb9: {  	_ =	strace $0x90000048  }
0xba: {  	_ =	sfence  }
0xbb: {  	s30 =	sld [smem:$0x0];
	_ =	sdelay $0x2  }
0xbc: {  	s31 =	sshll.u32 s1, $0xD;
	s1 =	sshrl.u32 s1, $0x2  }
0xbd: {  	s3 =	sand.u32 $0x4000, s31;
	s1 =	sadd.s32 s1, s30  }
0xbe: {  	s0 =	sor.u32 s3, s0;
	s1 =	sshll.u32 s1, $0x11  }
0xbf: {  	s0 =	sor.u32 s1, s0  }
0xc0: {  	s0 =	sadd.s32 $0x8F2B, s0  }
0xc1: {  	[sflag:s0] =	ssyncadd.remote.s32 $0x1  }
0xc2: {  	_ =	sfence.sel $0xFFFF  }
0xc3: {  	[dreg:$0x0] =	wrdreg $0xFFFFFFFF;
	(pc) =	sbr.abs _section_cstart, $3  }
0xc4: {  	[dreg:$0x1] =	wrdreg $0xFFFFFFFF  }
0xc5: {  	_ =	task.clear_ibuf [dreg:s9], $0x2FFFF;
	_ =	strace $0x9FFFFFFF  }
0xc6: {  	(tm) =	ssettm $0x7FFFFFFF  }
0xc7: {  	_ =	shalt  }
tec
execute0_lowered:
.L_overlay_start_1:
0x0: {  	(tag) =	ssettag $0x1  }
0x1: {  	s1 =	rddreg [dreg:$0x0]  }
0x2: {  	s2 =	rddreg [dreg:$0x1]  }
0x3: {  	s3 =	rddreg [dreg:$0x2]  }
0x4: {  	s0 =	rddreg [dreg:$0x3];
	s5 =	simm.s32 $0x0  }
0x5: {  	s4 =	srdreg.scid;
	s6 =	stileid.u32;
	s20 =	simm.s32 $0x1A700  }
0x6: {  	s21 =	simm.s32 $0x1AF00;
	s22 =	simm.s32 $0x1;
	s23 =	simm.s32 $0x2  }
0x7: {  	s24 =	simm.s32 $0x80;
	s28 =	simm.s32 $0x1B780;
	s29 =	simm.s32 $0x0  }
0x8: {  	[smem:$0x7FF] =	sst s5;
	s4 =	sand.u32 $0x1, s4;
	s6 =	sshll.u32 s6, $0x1  }
0x9: {  	s17 =	sadd.s32 $0x1800, s0;
	_ =	strace $0x80000047;
	s18 =	sor.u32 s4, s6  }
0xa: {  	s4 =	ssub.s32 $0x2, s4;
	s6 =	sadd.s32 $0x21A00, s0;
	s8 =	sshll.u32 s18, $0x4  }
0xb: {  	s7 =	sshrl.u32 s4, $0x1;
	s26 =	sshll.u32 s18, $0xC;
	p0 =	sne.s32 s18, $0x0  }
0xc: {  	s9 =	sadd.s32 s8, s0;
	s25 =	ssub.s32 s4, s7;
	s7 =	sshll.u32 s18, $0x7  }
0xd: {  	s8 =	sadd.s32 s3, s8;
	s11 =	sadd.s32 s17, s26;
	s18 =	simm.s32 $0x19700  }
.Ltmp0:
0xe: {  	s26 =	simm.s32 $0x1000;
	s9 =	sadd.s32 $0x21800, s9;
	(pc) =	sbr.rel .LBB2_1-.Ltmp0, $4  }
0xf: {  	s10 =	smax.u32 s25, $0x1;
	s12 =	sor.u32 $0x20, s7;
	s13 =	sor.u32 $0x40, s7  }
0x10: {  	v0 =	vlaneseq.u32;
	s14 =	sor.u32 $0x60, s7;
	s25 =	simm.s32 $0x1B700;
	s30 =	sshll.u32 s12, $0x5  }
0x11: {  	vm0 =	vmmov $0xffff;
	v4 =	vimm.f32 $0.0e+00;
	v2 =	vshrl.u32 v0, $0x3;
	s31 =	sshll.u32 s13, $0x5;
	s19 =	sshll.u32 s14, $0x5;
	s15 =	sadd.s32 s17, s30  }
0x12: {  	v1 =	vand.u32 $0x7, v0;
	v3 =	vor.u32 $0x8, v0;
	v2 =	vmul.u32 $0x8, v2;
	s16 =	sadd.s32 s17, s31;
	s17 =	sadd.s32 s17, s19;
	s19 =	simm.s32 $0x19F00  }
.LBB2_6:
0x13: {  	s29 =	sadd.s32 $0x1, s29  }
0x14: {  	p1 =	sne.s32 s29, s10  }
.Ltmp1:
0x15: {  	_ = 	snop;
	(pc) =	sbr.rel @!p1 .LBB2_7-.Ltmp1, $1  }
0x16: {  	_ =	sdelay $0x3  }
.LBB2_1:
0x17: {  	s0 =	simm.s32 @p0 $0x0  }
0x18: {  	[tilespmem:s7], [sflag:$0x2] =	stream.linear.gather @p0 [hbm4b:s8+s0], $0x80, $0x38;
	[tilespmem:$0x1C780] =	vst v63  }
0x19: {  	s0 =	simm.s32 @p0 $0x2  }
0x1a: {  	_ =	swait.ge @p0 [sflag:s0], $0x80  }
0x1b: {  	[sflag:s0] =	ssyncset.done @p0 $0x0  }
0x1c: {  	[sflag:s0] =	ssyncadd.s32 @p0 $0xFFFFFF80;
	s0 =	simm.s32 @!p0 $0x0  }
0x1d: {  	[tilespmem:s0], [sflag:$0x2] =	stream.linear.gather @!p0 [hbm4b:s3+s0], $0x1000, $0x38;
	[tilespmem:$0x1C780] =	vst v63  }
0x1e: {  	s0 =	simm.s32 @!p0 $0x2  }
0x1f: {  	_ =	swait.ge @!p0 [sflag:s0], $0x1000  }
0x20: {  	[sflag:s0] =	ssyncset.done @!p0 $0x0  }
0x21: {  	[sflag:s0] =	ssyncadd.s32 @!p0 $0xFFFFF000  }
0x22: {  	v5 =	vld [tilespmem:s7+$0x0];
	_ =	sdelay $0x4  }
0x23: {  	v6 =	vshll.u32 v5, $0x1  }
0x24: {  	v5 =	vand.u32 $0x7, v5;
	v6 =	vand.u32 $0xFFFFFFF0, v6  }
0x25: {  	v5 =	vor.u32 v5, v6  }
0x26: {  	v6 =	vperm.xlane v5, v1;
	_ =	sdelay $0x1  }
0x27: {  	v5 =	vperm.xlane v5, v3;
	v6 =	vadd.s32 v2, v6;
	_ =	sdelay $0x1  }
0x28: {  	v5 =	vadd.s32 v2, v5;
	_ =	sdelay $0x2  }
0x29: {  	[tilespmem:s18], [sflag:$0x1] =	stream.indirect_vreg.gather [hbm4b:s1+s5], $0x80, v6, vm0, $0xb8;
	[tilespmem:$0x1C780] =	vst v63  }
0x2a: {  	_ = 	snop  }
0x2b: {  	[tilespmem:s19], [sflag:$0x1] =	stream.indirect_vreg.gather [hbm4b:s1+s5], $0x80, v5, vm0, $0xb8;
	[tilespmem:$0x1C780] =	vst v63  }
0x2c: {  	v5 =	vld [tilespmem:s7+$0x10];
	_ =	sdelay $0x4  }
0x2d: {  	v6 =	vshll.u32 v5, $0x1  }
0x2e: {  	v5 =	vand.u32 $0x7, v5;
	v6 =	vand.u32 $0xFFFFFFF0, v6  }
0x2f: {  	v5 =	vor.u32 v5, v6  }
0x30: {  	v6 =	vperm.xlane v5, v1;
	_ =	sdelay $0x1  }
0x31: {  	v5 =	vperm.xlane v5, v3;
	v6 =	vadd.s32 v2, v6;
	_ =	sdelay $0x1  }
0x32: {  	v5 =	vadd.s32 v2, v5;
	_ =	sdelay $0x2  }
0x33: {  	[tilespmem:s20], [sflag:$0x1] =	stream.indirect_vreg.gather [hbm4b:s1+s5], $0x80, v6, vm0, $0xb8;
	[tilespmem:$0x1C780] =	vst v63  }
0x34: {  	_ = 	snop  }
0x35: {  	[tilespmem:s21], [sflag:$0x1] =	stream.indirect_vreg.gather [hbm4b:s1+s5], $0x80, v5, vm0, $0xb8;
	[tilespmem:$0x1C780] =	vst v63  }
0x36: {  	_ =	swait.ge [sflag:s22], $0x2000  }
0x37: {  	[sflag:s22] =	ssyncset.done $0x0  }
0x38: {  	[sflag:s22] =	ssyncadd.s32 $0xFFFFE000  }
0x39: {  	[hbm4b:s11+s5] =	stream.linear.scatter [tilespmem:s18], [sflag:$0x2], $0x2000, $0x38;
	[tilespmem:$0x1C780] =	vst v63  }
0x3a: {  	_ =	swait.ge [sflag:s23], $0x2000  }
0x3b: {  	[sflag:s23] =	ssyncset.done $0x0  }
0x3c: {  	[sflag:s23] =	ssyncadd.s32 $0xFFFFE000  }
0x3d: {  	v5 =	vld [tilespmem:s12+$0x0];
	_ =	sdelay $0x4  }
0x3e: {  	v6 =	vshll.u32 v5, $0x1  }
0x3f: {  	v5 =	vand.u32 $0x7, v5;
	v6 =	vand.u32 $0xFFFFFFF0, v6  }
0x40: {  	v5 =	vor.u32 v5, v6  }
0x41: {  	v6 =	vperm.xlane v5, v1;
	_ =	sdelay $0x1  }
0x42: {  	v5 =	vperm.xlane v5, v3;
	v6 =	vadd.s32 v2, v6;
	_ =	sdelay $0x1  }
0x43: {  	v5 =	vadd.s32 v2, v5;
	_ =	sdelay $0x2  }
0x44: {  	[tilespmem:s18], [sflag:$0x1] =	stream.indirect_vreg.gather [hbm4b:s1+s5], $0x80, v6, vm0, $0xb8;
	[tilespmem:$0x1C780] =	vst v63  }
0x45: {  	_ = 	snop  }
0x46: {  	[tilespmem:s19], [sflag:$0x1] =	stream.indirect_vreg.gather [hbm4b:s1+s5], $0x80, v5, vm0, $0xb8;
	[tilespmem:$0x1C780] =	vst v63  }
0x47: {  	v5 =	vld [tilespmem:s12+$0x10];
	_ =	sdelay $0x4  }
0x48: {  	v6 =	vshll.u32 v5, $0x1  }
0x49: {  	v5 =	vand.u32 $0x7, v5;
	v6 =	vand.u32 $0xFFFFFFF0, v6  }
0x4a: {  	v5 =	vor.u32 v5, v6  }
0x4b: {  	v6 =	vperm.xlane v5, v1;
	_ =	sdelay $0x1  }
0x4c: {  	v5 =	vperm.xlane v5, v3;
	v6 =	vadd.s32 v2, v6;
	_ =	sdelay $0x1  }
0x4d: {  	v5 =	vadd.s32 v2, v5;
	_ =	sdelay $0x2  }
0x4e: {  	[tilespmem:s20], [sflag:$0x1] =	stream.indirect_vreg.gather [hbm4b:s1+s5], $0x80, v6, vm0, $0xb8;
	[tilespmem:$0x1C780] =	vst v63  }
0x4f: {  	_ = 	snop  }
0x50: {  	[tilespmem:s21], [sflag:$0x1] =	stream.indirect_vreg.gather [hbm4b:s1+s5], $0x80, v5, vm0, $0xb8;
	[tilespmem:$0x1C780] =	vst v63  }
0x51: {  	_ =	swait.ge [sflag:s22], $0x2000  }
0x52: {  	[sflag:s22] =	ssyncset.done $0x0  }
0x53: {  	[sflag:s22] =	ssyncadd.s32 $0xFFFFE000  }
0x54: {  	[hbm4b:s15+s5] =	stream.linear.scatter [tilespmem:s18], [sflag:$0x2], $0x2000, $0x38;
	[tilespmem:$0x1C780] =	vst v63  }
0x55: {  	_ =	swait.ge [sflag:s23], $0x2000  }
0x56: {  	[sflag:s23] =	ssyncset.done $0x0  }
0x57: {  	[sflag:s23] =	ssyncadd.s32 $0xFFFFE000  }
0x58: {  	v5 =	vld [tilespmem:s13+$0x0];
	_ =	sdelay $0x4  }
0x59: {  	v6 =	vshll.u32 v5, $0x1  }
0x5a: {  	v5 =	vand.u32 $0x7, v5;
	v6 =	vand.u32 $0xFFFFFFF0, v6  }
0x5b: {  	v5 =	vor.u32 v5, v6  }
0x5c: {  	v6 =	vperm.xlane v5, v1;
	_ =	sdelay $0x1  }
0x5d: {  	v5 =	vperm.xlane v5, v3;
	v6 =	vadd.s32 v2, v6;
	_ =	sdelay $0x1  }
0x5e: {  	v5 =	vadd.s32 v2, v5;
	_ =	sdelay $0x2  }
0x5f: {  	[tilespmem:s18], [sflag:$0x1] =	stream.indirect_vreg.gather [hbm4b:s1+s5], $0x80, v6, vm0, $0xb8;
	[tilespmem:$0x1C780] =	vst v63  }
0x60: {  	_ = 	snop  }
0x61: {  	[tilespmem:s19], [sflag:$0x1] =	stream.indirect_vreg.gather [hbm4b:s1+s5], $0x80, v5, vm0, $0xb8;
	[tilespmem:$0x1C780] =	vst v63  }
0x62: {  	v5 =	vld [tilespmem:s13+$0x10];
	_ =	sdelay $0x4  }
0x63: {  	v6 =	vshll.u32 v5, $0x1  }
0x64: {  	v5 =	vand.u32 $0x7, v5;
	v6 =	vand.u32 $0xFFFFFFF0, v6  }
0x65: {  	v5 =	vor.u32 v5, v6  }
0x66: {  	v6 =	vperm.xlane v5, v1;
	_ =	sdelay $0x1  }
0x67: {  	v5 =	vperm.xlane v5, v3;
	v6 =	vadd.s32 v2, v6;
	_ =	sdelay $0x1  }
0x68: {  	v5 =	vadd.s32 v2, v5;
	_ =	sdelay $0x2  }
0x69: {  	[tilespmem:s20], [sflag:$0x1] =	stream.indirect_vreg.gather [hbm4b:s1+s5], $0x80, v6, vm0, $0xb8;
	[tilespmem:$0x1C780] =	vst v63  }
0x6a: {  	_ = 	snop  }
0x6b: {  	[tilespmem:s21], [sflag:$0x1] =	stream.indirect_vreg.gather [hbm4b:s1+s5], $0x80, v5, vm0, $0xb8;
	[tilespmem:$0x1C780] =	vst v63  }
0x6c: {  	_ =	swait.ge [sflag:s22], $0x2000  }
0x6d: {  	[sflag:s22] =	ssyncset.done $0x0  }
0x6e: {  	[sflag:s22] =	ssyncadd.s32 $0xFFFFE000  }
0x6f: {  	[hbm4b:s16+s5] =	stream.linear.scatter [tilespmem:s18], [sflag:$0x2], $0x2000, $0x38;
	[tilespmem:$0x1C780] =	vst v63  }
0x70: {  	_ =	swait.ge [sflag:s23], $0x2000  }
0x71: {  	[sflag:s23] =	ssyncset.done $0x0  }
0x72: {  	[sflag:s23] =	ssyncadd.s32 $0xFFFFE000  }
0x73: {  	v5 =	vld [tilespmem:s14+$0x0];
	_ =	sdelay $0x4  }
0x74: {  	v6 =	vshll.u32 v5, $0x1  }
0x75: {  	v5 =	vand.u32 $0x7, v5;
	v6 =	vand.u32 $0xFFFFFFF0, v6  }
0x76: {  	v5 =	vor.u32 v5, v6  }
0x77: {  	v6 =	vperm.xlane v5, v1;
	_ =	sdelay $0x1  }
0x78: {  	v5 =	vperm.xlane v5, v3;
	v6 =	vadd.s32 v2, v6;
	_ =	sdelay $0x1  }
0x79: {  	v5 =	vadd.s32 v2, v5;
	_ =	sdelay $0x2  }
0x7a: {  	[tilespmem:s18], [sflag:$0x1] =	stream.indirect_vreg.gather [hbm4b:s1+s5], $0x80, v6, vm0, $0xb8;
	[tilespmem:$0x1C780] =	vst v63  }
0x7b: {  	_ = 	snop  }
0x7c: {  	[tilespmem:s19], [sflag:$0x1] =	stream.indirect_vreg.gather [hbm4b:s1+s5], $0x80, v5, vm0, $0xb8;
	[tilespmem:$0x1C780] =	vst v63  }
0x7d: {  	v5 =	vld [tilespmem:s14+$0x10];
	_ =	sdelay $0x4  }
0x7e: {  	v6 =	vshll.u32 v5, $0x1  }
0x7f: {  	v5 =	vand.u32 $0x7, v5;
	v6 =	vand.u32 $0xFFFFFFF0, v6  }
0x80: {  	v5 =	vor.u32 v5, v6  }
0x81: {  	v6 =	vperm.xlane v5, v1;
	_ =	sdelay $0x1  }
0x82: {  	v5 =	vperm.xlane v5, v3;
	v6 =	vadd.s32 v2, v6;
	_ =	sdelay $0x1  }
0x83: {  	v5 =	vadd.s32 v2, v5;
	_ =	sdelay $0x2  }
0x84: {  	[tilespmem:s20], [sflag:$0x1] =	stream.indirect_vreg.gather [hbm4b:s1+s5], $0x80, v6, vm0, $0xb8;
	[tilespmem:$0x1C780] =	vst v63  }
0x85: {  	_ = 	snop  }
0x86: {  	[tilespmem:s21], [sflag:$0x1] =	stream.indirect_vreg.gather [hbm4b:s1+s5], $0x80, v5, vm0, $0xb8;
	[tilespmem:$0x1C780] =	vst v63  }
0x87: {  	_ =	swait.ge [sflag:s22], $0x2000  }
0x88: {  	[sflag:s22] =	ssyncset.done $0x0  }
0x89: {  	[sflag:s22] =	ssyncadd.s32 $0xFFFFE000  }
0x8a: {  	[hbm4b:s17+s5] =	stream.linear.scatter [tilespmem:s18], [sflag:$0x2], $0x2000, $0x38;
	[tilespmem:$0x1C780] =	vst v63  }
0x8b: {  	_ =	swait.ge [sflag:s23], $0x2000  }
0x8c: {  	[sflag:s23] =	ssyncset.done $0x0  }
0x8d: {  	[sflag:s23] =	ssyncadd.s32 $0xFFFFE000  }
0x8e: {  	[tilespmem:s25], [sflag:$0x1] =	stream.indirect.gather [hbm4b:s2+s24], $0x1, s7, s24, $0xb8;
	[tilespmem:$0x1C780] =	vst v63  }
0x8f: {  	_ =	swait.ge [sflag:s22], $0x80  }
0x90: {  	[sflag:s22] =	ssyncset.done $0x0  }
.Ltmp2:
0x91: {  	[sflag:s22] =	ssyncadd.s32 $0xFFFFFF80;
	(pc) =	sbr.rel @p0 .LBB2_6-.Ltmp2, $4  }
0x92: {  	[hbm4b:s9+s5] =	stream.linear.scatter [tilespmem:s25], [sflag:$0x2], $0x80, $0x38;
	[tilespmem:$0x1C780] =	vst v63  }
0x93: {  	_ =	swait.ge [sflag:s23], $0x80  }
0x94: {  	[sflag:s23] =	ssyncset.done $0x0  }
0x95: {  	s4 =	simm.s32 $0x0;
	s0 =	simm.s32 $0x0;
	[sflag:s23] =	ssyncadd.s32 $0xFFFFFF80  }
.LBB2_2:
0x96: {  	v5 =	vld [tilespmem:s0+$0x0];
	_ =	sdelay $0x2  }
0x97: {  	p1 =	sne.s32 s4, $0xFF0  }
.Ltmp3:
0x98: {  	_ = 	snop;
	(pc) =	sbr.rel @p1 .LBB2_2-.Ltmp3, $3  }
0x99: {  	_ =	sdelay $0x1  }
0x9a: {  	v6 =	vor.u32 s4, v0  }
0x9b: {  	s0 =	sadd.s32 $0x10, s0;
	s4 =	sadd.s32 $0x10, s4;
	[tilespmem:v5+s26+$0x0] =	vst.idx.msk $0xffff, v6  }
0x9c: {  	s0 =	simm.s32 $0x0  }
0x9d: {  	v5 =	vld [tilespmem:s0+$0x0];
	_ =	sdelay $0x7  }
0x9e: {  	v5 =	vld.idx.msk [tilespmem:v5+s26+$0x0], $0xffff;
	_ =	sdelay $0x3  }
0x9f: {  	v6 =	vor.u32 s0, v0  }
0xa0: {  	vm1 =	veq.s32 v5, v6  }
0xa1: {  	s30 =	simm.s32 $0x1B780;
	v5 =	vsel vm1, $0x3F800000, v4  }
0xa2: {  	s31 =	simm.s32 $0x10;
	[tilespmem:s30+$0x0] =	vst v5  }
0xa3: {  	s4 =	simm.s32 $0x10;
	s0 =	simm.s32 $0x20;
	v5 =	vld [tilespmem:s31+$0x0]  }
.LBB2_4:
0xa4: {  	p1 =	sne.s32 s0, $0xFF0;
	_ =	sdelay $0x6  }
0xa5: {  	v5 =	vld.idx.msk [tilespmem:v5+s26+$0x0], $0xffff;
	_ =	sdelay $0x4  }
.Ltmp4:
0xa6: {  	v6 =	vor.u32 s31, v0;
	s31 =	smov.u32 s0;
	(pc) =	sbr.rel @p1 .LBB2_4-.Ltmp4, $4  }
0xa7: {  	vm1 =	veq.s32 v5, v6  }
0xa8: {  	s30 =	sadd.s32 $0x10, s30;
	v5 =	vsel vm1, $0x3F800000, v4  }
0xa9: {  	s4 =	sadd.s32 $0x10, s4;
	[tilespmem:s30+$0x0] =	vst v5  }
0xaa: {  	s0 =	sadd.s32 $0x10, s0;
	v5 =	vld [tilespmem:s4+$0x0]  }
0xab: {  	_ =	sdelay $0x7  }
0xac: {  	v5 =	vld.idx.msk [tilespmem:v5+s26+$0x0], $0xffff;
	_ =	sdelay $0x3  }
0xad: {  	v6 =	vor.u32 s31, v0  }
0xae: {  	vm1 =	veq.s32 v5, v6  }
0xaf: {  	s0 =	sadd.s32 $0x10, s30;
	v5 =	vsel vm1, $0x3F800000, v4  }
.Ltmp5:
0xb0: {  	[tilespmem:s0+$0x0] =	vst v5;
	(pc) =	sbr.rel .LBB2_6-.Ltmp5, $4  }
0xb1: {  	[hbm4b:s6+s5] =	stream.linear.scatter [tilespmem:s28], [sflag:$0x2], $0x1000, $0x38;
	[tilespmem:$0x1C780] =	vst v63  }
0xb2: {  	_ =	swait.ge [sflag:s23], $0x1000  }
0xb3: {  	[sflag:s23] =	ssyncset.done $0x0  }
0xb4: {  	[sflag:s23] =	ssyncadd.s32 $0xFFFFF000  }
.LBB2_7:
0xb5: {  	_ =	sfence.sel $0x180000  }
0xb6: {  	[bflag:$0x0] =	sbarrier.arrive $0xFFFF  }
0xb7: {  	_ =	strace $0x90000047  }
0xb8: {  	s0 =	stileid.u32;
	[bflag:$0x2] =	sbarrier.arrive $0xFFFF  }
0xb9: {  	p0 =	sne.s32 s0, $0x0;
	s0 =	rddreg [dreg:$0x4]  }
0xba: {  	s0 =	sadd.s32 @!p0 $0x100000, s0  }
0xbb: {  	[sflag:s0] =	ssyncadd.tile.s32 @!p0 $0x1;
	_ =	shalt  }
.Lfunc_end2:
_tile_overlayer_lowered:
.L_overlay_start_2:
0xbc: {  	(tag) =	ssettag $0x2  }
0xbd: {  	s0 =	rddreg [dreg:$0x0];
	s2 =	stileid.u32  }
0xbe: {  	s1 =	rddreg [dreg:$0x1];
	p0 =	sne.s32 s2, $0x0  }
0xbf: {  	s3 =	rddreg [dreg:$0x2];
	[bflag:$0x3] =	sbarrier.arrive $0xFFFF;
	s2 =	simm.s32 @!p0 $0x1C02  }
0xc0: {  	[timem:s3], [sflag:s2] =	dma.local @!p0 [hbm:s0], s1  }
0xc1: {  	s0 =	simm.s32 @!p0 $0x2  }
0xc2: {  	_ =	swait.ge @!p0 [sflag:s0], s1  }
0xc3: {  	s1 =	ssub.s32 @!p0 $0x0, s1;
	[sflag:s0] =	ssyncset.done @!p0 $0x0  }
0xc4: {  	[sflag:s0] =	ssyncadd.s32 @!p0 s1  }
0xc5: {  	[bflag:$0x3] =	sbarrier.arrive $0xFFFF  }
0xc6: {  	_ =	shalt  }

</sc_bundles>
